<compile_context>
chip_gen: v7x
topology: tpu7x:2x2x1
jax: 0.10.2.dev20260603
libtpu: 0.0.44.dev20260713+nightly
codegen_flags: <defaults>
</compile_context>

<pallas_src>
import functools

import jax
import jax.numpy as jnp
from jax import lax
from jax.experimental import pallas as pl
from jax.experimental.pallas import tpu as pltpu
from jax.experimental.pallas import tpu_sc as plsc

_B = 1024
_C = 256
_HW = 49
_N_DB = 100000
_SEQ = 50
_VOCAB = 1000
_EPS = 1e-8

_POOL_BB = 128


def _pool_body(x_ref, o_ref):
    m = jnp.max(x_ref[...], axis=0)
    a_n = jnp.sqrt(jnp.sum(m * m, axis=1, keepdims=True))
    a_norm = m / jnp.maximum(a_n, _EPS)
    o_ref[...] = a_norm.T


def _pool_anorm_t(images):
    x = jnp.transpose(images, (2, 3, 0, 1)).reshape(_HW, _B, _C)
    return pl.pallas_call(
        _pool_body,
        grid=(_B // _POOL_BB,),
        in_specs=[pl.BlockSpec((_HW, _POOL_BB, _C), lambda i: (0, i, 0))],
        out_specs=pl.BlockSpec((_C, _POOL_BB), lambda i: (0, i)),
        out_shape=jax.ShapeDtypeStruct((_C, _B), jnp.float32),
    )(x)


_DB_BLK = 2000
_N_DB_BLOCKS = _N_DB // _DB_BLK


def _sim_argmax_body(at_ref, db_ref, bv_ref, bi_ref):
    j = pl.program_id(0)
    db = db_ref[...]
    b_n = jnp.sqrt(jnp.sum(db * db, axis=1, keepdims=True))
    b_norm = db / jnp.maximum(b_n, _EPS)
    sims = lax.dot_general(
        b_norm, at_ref[...], (((1,), (0,)), ((), ())),
        preferred_element_type=jnp.float32,
    )
    bmax = jnp.max(sims, axis=0)
    rows = lax.broadcasted_iota(jnp.int32, (_DB_BLK, _B), 0)
    cand = jnp.where(sims == bmax[None, :], rows, jnp.int32(2**31 - 1))
    bidx = jnp.min(cand, axis=0) + j * _DB_BLK

    @pl.when(j == 0)
    def _init():
        bv_ref[...] = bmax
        bi_ref[...] = bidx

    @pl.when(j > 0)
    def _merge():
        better = bmax > bv_ref[...]
        bv_ref[...] = jnp.where(better, bmax, bv_ref[...])
        bi_ref[...] = jnp.where(better, bidx, bi_ref[...])


def _closest(at, all_features):
    bv, bi = pl.pallas_call(
        _sim_argmax_body,
        grid=(_N_DB_BLOCKS,),
        in_specs=[
            pl.BlockSpec((_C, _B), lambda j: (0, 0)),
            pl.BlockSpec((_DB_BLK, _C), lambda j: (j, 0)),
        ],
        out_specs=[
            pl.BlockSpec((_B,), lambda j: (0,)),
            pl.BlockSpec((_B,), lambda j: (0,)),
        ],
        out_shape=[
            jax.ShapeDtypeStruct((_B,), jnp.float32),
            jax.ShapeDtypeStruct((_B,), jnp.int32),
        ],
        compiler_params=pltpu.CompilerParams(
            dimension_semantics=("arbitrary",),
        ),
    )(at, all_features)
    del bv
    return bi


_PAD_W = 128
_PAD_ROWS = 2000


def _pad_body(x_ref, o_ref):
    o_ref[:, : _SEQ] = x_ref[...]


def _pad_table(table):
    return pl.pallas_call(
        _pad_body,
        grid=(_N_DB // _PAD_ROWS,),
        in_specs=[pl.BlockSpec((_PAD_ROWS, _SEQ), lambda i: (i, 0))],
        out_specs=pl.BlockSpec((_PAD_ROWS, _PAD_W), lambda i: (i, 0)),
        out_shape=jax.ShapeDtypeStruct((_N_DB, _PAD_W), jnp.int32),
    )(table)


def _sc_gather(idx, table):
    info = plsc.get_sparse_core_info()
    nw = info.num_cores * info.num_subcores
    b_per_w = _B // nw
    w = table.shape[1]
    mesh = plsc.VectorSubcoreMesh(core_axis_name="c", subcore_axis_name="s")

    @functools.partial(
        pl.kernel,
        out_type=jax.ShapeDtypeStruct((_B, w), jnp.int32),
        mesh=mesh,
        scratch_types=[
            pltpu.VMEM((b_per_w,), jnp.int32),
            pltpu.VMEM((b_per_w, w), jnp.int32),
            pltpu.SemaphoreType.DMA,
        ],
    )
    def k(idx_hbm, table_hbm, out_hbm, idx_v, rows_v, sem):
        wid = lax.axis_index("s") * info.num_cores + lax.axis_index("c")
        base = wid * b_per_w
        pltpu.sync_copy(idx_hbm.at[pl.ds(base, b_per_w)], idx_v)
        pltpu.async_copy(table_hbm.at[idx_v], rows_v, sem).wait()
        pltpu.sync_copy(rows_v, out_hbm.at[pl.ds(base, b_per_w)])

    return k(idx, table)


_OH_ROWS = 32
_OH_SPLIT = 4
_OH_SUB = _OH_ROWS // _OH_SPLIT
_OH_STEPS = _B // _OH_ROWS


def _onehot_body(w_ref, o_hbm, scratch, sems):
    i = pl.program_id(0)
    slot = lax.rem(i, 2)

    @pl.when(i >= 2)
    def _wait_prev():
        for q in range(_OH_SPLIT):
            pltpu.make_async_copy(
                scratch.at[slot, q],
                o_hbm.at[pl.ds(q * _OH_SUB, _OH_SUB)],
                sems.at[slot, q],
            ).wait()

    w = w_ref[...][:, : _SEQ]
    v = lax.broadcasted_iota(jnp.int32, (_OH_ROWS, _SEQ, _VOCAB), 2)
    oh = (w[:, :, None] == v).astype(jnp.float32)
    scratch[slot] = oh.reshape(_OH_SPLIT, _OH_SUB, _SEQ, _VOCAB)
    for q in range(_OH_SPLIT):
        pltpu.make_async_copy(
            scratch.at[slot, q],
            o_hbm.at[pl.ds(i * _OH_ROWS + q * _OH_SUB, _OH_SUB)],
            sems.at[slot, q],
        ).start()

    @pl.when(i == _OH_STEPS - 1)
    def _drain():
        for s2 in range(2):
            for q in range(_OH_SPLIT):
                pltpu.make_async_copy(
                    scratch.at[s2, q],
                    o_hbm.at[pl.ds(q * _OH_SUB, _OH_SUB)],
                    sems.at[s2, q],
                ).wait()


def _onehot(words):
    return pl.pallas_call(
        _onehot_body,
        grid=(_OH_STEPS,),
        in_specs=[pl.BlockSpec((_OH_ROWS, _PAD_W), lambda i: (i, 0))],
        out_specs=pl.BlockSpec(memory_space=pl.ANY),
        out_shape=jax.ShapeDtypeStruct((_B, _SEQ, _VOCAB), jnp.float32),
        scratch_shapes=[
            pltpu.VMEM((2, _OH_SPLIT, _OH_SUB, _SEQ, _VOCAB), jnp.float32),
            pltpu.SemaphoreType.DMA((2, _OH_SPLIT)),
        ],
    )(words)


def kernel(images, reports, all_features, all_reports):
    del reports
    at = _pool_anorm_t(images)
    idx = _closest(at, all_features)
    words = _sc_gather(idx, _pad_table(all_reports))
    oh = _onehot_aligned(words)
    return oh[:, :_SEQ, :_VOCAB]


_OHA_ROWS = 32


def _oha_body(w_ref, o_ref):
    w = w_ref[...][:, :56]
    v = lax.broadcasted_iota(jnp.int32, (_OHA_ROWS, 56, 1024), 2)
    o_ref[...] = (w[:, :, None] == v).astype(jnp.float32)


def _onehot_aligned(words):
    return pl.pallas_call(
        _oha_body,
        grid=(_B // _OHA_ROWS,),
        in_specs=[pl.BlockSpec((_OHA_ROWS, _PAD_W), lambda i: (i, 0))],
        out_specs=pl.BlockSpec((_OHA_ROWS, 56, 1024), lambda i: (i, 0, 0)),
        out_shape=jax.ShapeDtypeStruct((_B, 56, 1024), jnp.float32),
    )(words)

# --- scband reference (transcript-rebuilt; emitter-appended) ---
"""Pipeline reference for scband-most-similar-image-19009525252280 (READ-ONLY COPY).

The authoritative reference and input builder live on the scoring server;
editing this copy changes nothing except your own understanding.
"""

import jax, jax.numpy as jnp
import numpy as np

B, C, H, W = 1024, 256, 7, 7
N_DB = 100000
SEQ = 50
VOCAB = 1000


def setup_inputs(seed: int = 0) -> dict:
    key = jax.random.key(seed)
    k1, k2, k3, k4 = jax.random.split(key, 4)
    images = jax.random.normal(k1, (B, C, H, W), dtype=jnp.float32)
    reports = jax.random.randint(k2, (B, SEQ), 0, VOCAB, dtype=jnp.int32)
    # 'fit()' state: database of pooled CNN features and associated reports
    all_features = jax.random.normal(k3, (N_DB, C), dtype=jnp.float32)
    all_reports = jax.random.randint(k4, (N_DB, SEQ), 0, VOCAB, dtype=jnp.int32)
    return {
        'images': images,
        'reports': reports,
        'all_features': all_features,
        'all_reports': all_reports,
    }


def _cosine_closest(features, feats_database, eps=1e-8):
    a_n = jnp.linalg.norm(features, axis=1, keepdims=True)
    b_n = jnp.linalg.norm(feats_database, axis=1, keepdims=True)
    a_norm = features / jnp.maximum(a_n, eps * jnp.ones_like(a_n))
    b_norm = feats_database / jnp.maximum(b_n, eps * jnp.ones_like(b_n))
    sim_mt = a_norm @ b_norm.T
    return jnp.argmax(sim_mt, axis=-1)


def reference(images, reports, all_features, all_reports):
    # images_to_features: cnn.features output -> AdaptiveMaxPool2d((1,1)) + Flatten
    features = jnp.max(images, axis=(2, 3))
    closest = _cosine_closest(features, all_features)
    output_reports = jnp.take(all_reports, closest, axis=0)  # gather reports of 1-NN
    n_words_target = reports.shape[1]
    n_words_current = output_reports.shape[1]
    if n_words_current > n_words_target:
        output_reports = output_reports[:, :n_words_target]
    elif n_words_current < n_words_target:
        missing = n_words_target - n_words_current
        output_reports = jnp.pad(output_reports, ((0, 0), (0, missing)))
    out = jax.nn.one_hot(output_reports, VOCAB, dtype=jnp.float32)
    return out

if __name__ == "__main__":
    import jax
    _d = setup_inputs()
    print(jax.jit(kernel)(*tuple(_d.values())))

</pallas_src>

<mosaic_0001>
#map = affine_map<(d0, d1) -> (0)>
#map1 = affine_map<(d0, d1) -> (0, 0)>
module attributes {stable_mosaic.version = 14 : i64} {
  func.func @k(%arg0: i32, %arg1: i32, %arg2: memref<1024xi32, #tpu.memory_space<hbm>>, %arg3: memref<100000x128xi32, #tpu.memory_space<hbm>>, %arg4: memref<1024x128xi32, #tpu.memory_space<hbm>>, %arg5: memref<32xi32, #tpu.memory_space<vmem>>, %arg6: memref<32x128xi32, #tpu.memory_space<vmem>>, %arg7: memref<!tpu.dma_semaphore, #tpu.memory_space<semaphore_mem>>) attributes {dimension_semantics = [#tpu.dimension_semantics<core_parallel>, #tpu.dimension_semantics<subcore_parallel>], iteration_bounds = array<i64: 2, 16>, scalar_prefetch = 0 : i64, scratch_operands = 3 : i64, tpu.core_type = #tpu.core_type<sc_vector_subcore>, window_params = [{transform_indices = #map}, {transform_indices = #map1}, {transform_indices = #map1}]} {
    %mul3A = arith.constant 2 : i32
    %mul3A_0 = arith.muli %arg1, %mul3A : i32
    %add3A = arith.addi %mul3A_0, %arg0 : i32
    %mul3A_1 = arith.constant 32 : i32
    %mul3A_2 = arith.muli %add3A, %mul3A_1 : i32
    "tpu.region"() ({
      %run_scoped3A = tpu.sem_alloc : memref<!tpu.dma_semaphore, #tpu.memory_space<semaphore_mem>>
      %dma_start3A_7 = tpu.memref_slice %arg2[%mul3A_2] : memref<1024xi32, #tpu.memory_space<hbm>> -> memref<32xi32, #tpu.memory_space<hbm>>
      %dma_start3A_8 = tpu.memref_slice %arg2[%mul3A_2] : memref<1024xi32, #tpu.memory_space<hbm>> -> memref<32xi32, #tpu.memory_space<hbm>>
      tpu.enqueue_dma source(%dma_start3A_8 : memref<32xi32, #tpu.memory_space<hbm>>) target(%arg5 : memref<32xi32, #tpu.memory_space<vmem>>) target_semaphore(%run_scoped3A : memref<!tpu.dma_semaphore, #tpu.memory_space<semaphore_mem>>)
      %dma_wait3A_9 = tpu.memref_slice %arg2[%mul3A_2] : memref<1024xi32, #tpu.memory_space<hbm>> -> memref<32xi32, #tpu.memory_space<hbm>>
      %dma_wait3A_10 = tpu.memref_slice %arg2[%mul3A_2] : memref<1024xi32, #tpu.memory_space<hbm>> -> memref<32xi32, #tpu.memory_space<hbm>>
      tpu.wait_dma2 semaphore(%run_scoped3A : memref<!tpu.dma_semaphore, #tpu.memory_space<semaphore_mem>>) src(%dma_wait3A_10 : memref<32xi32, #tpu.memory_space<hbm>>) dst(%arg5 : memref<32xi32, #tpu.memory_space<vmem>>)
      tpu.yield
    }) : () -> ()
    %dma_start3A = arith.constant 0 : i32
    %dma_start3A_3 = arith.constant 0 : i32
    %dma_start3A_4 = tpu.memref_slice %arg3[%dma_start3A, %dma_start3A_3] : memref<100000x128xi32, #tpu.memory_space<hbm>> -> memref<100000x128xi32, #tpu.memory_space<hbm>>
    tpu.enqueue_indirect_dma source(%dma_start3A_4 : memref<100000x128xi32, #tpu.memory_space<hbm>>) target(%arg6 : memref<32x128xi32, #tpu.memory_space<vmem>>) offsets(%arg5 : memref<32xi32, #tpu.memory_space<vmem>>) semaphore(%arg7 : memref<!tpu.dma_semaphore, #tpu.memory_space<semaphore_mem>>)
    %dma_wait3A = arith.constant 0 : i32
    %dma_wait3A_5 = arith.constant 0 : i32
    %dma_wait3A_6 = tpu.memref_slice %arg3[%dma_wait3A, %dma_wait3A_5] : memref<100000x128xi32, #tpu.memory_space<hbm>> -> memref<100000x128xi32, #tpu.memory_space<hbm>>
    tpu.wait_indirect_dma semaphore(%arg7 : memref<!tpu.dma_semaphore, #tpu.memory_space<semaphore_mem>>) src(%dma_wait3A_6 : memref<100000x128xi32, #tpu.memory_space<hbm>>) dst(%arg6 : memref<32x128xi32, #tpu.memory_space<vmem>>)
    "tpu.region"() ({
      %run_scoped3A = tpu.sem_alloc : memref<!tpu.dma_semaphore, #tpu.memory_space<semaphore_mem>>
      %dma_start3A_7 = arith.constant 0 : i32
      %dma_start3A_8 = tpu.memref_slice %arg4[%mul3A_2, %dma_start3A_7] : memref<1024x128xi32, #tpu.memory_space<hbm>> -> memref<32x128xi32, #tpu.memory_space<hbm>>
      %dma_start3A_9 = arith.constant 0 : i32
      %dma_start3A_10 = tpu.memref_slice %arg4[%mul3A_2, %dma_start3A_9] : memref<1024x128xi32, #tpu.memory_space<hbm>> -> memref<32x128xi32, #tpu.memory_space<hbm>>
      tpu.enqueue_dma source(%arg6 : memref<32x128xi32, #tpu.memory_space<vmem>>) target(%dma_start3A_10 : memref<32x128xi32, #tpu.memory_space<hbm>>) target_semaphore(%run_scoped3A : memref<!tpu.dma_semaphore, #tpu.memory_space<semaphore_mem>>)
      %dma_wait3A_11 = arith.constant 0 : i32
      %dma_wait3A_12 = tpu.memref_slice %arg4[%mul3A_2, %dma_wait3A_11] : memref<1024x128xi32, #tpu.memory_space<hbm>> -> memref<32x128xi32, #tpu.memory_space<hbm>>
      %dma_wait3A_13 = arith.constant 0 : i32
      %dma_wait3A_14 = tpu.memref_slice %arg4[%mul3A_2, %dma_wait3A_13] : memref<1024x128xi32, #tpu.memory_space<hbm>> -> memref<32x128xi32, #tpu.memory_space<hbm>>
      tpu.wait_dma2 semaphore(%run_scoped3A : memref<!tpu.dma_semaphore, #tpu.memory_space<semaphore_mem>>) src(%arg6 : memref<32x128xi32, #tpu.memory_space<vmem>>) dst(%dma_wait3A_14 : memref<32x128xi32, #tpu.memory_space<hbm>>)
      tpu.yield
    }) : () -> ()
    return
  }
}

module attributes {stable_mosaic.version = 14 : i64} {
  func.func @_pad_body(%arg0: i32, %arg1: memref<2000x50xi32, #tpu.memory_space<vmem>>, %arg2: memref<2000x128xi32, #tpu.memory_space<vmem>>) attributes {dimension_semantics = [#tpu.dimension_semantics<arbitrary>], iteration_bounds = array<i64: 50>, scalar_prefetch = 0 : i64, scratch_operands = 0 : i64, tpu.core_type = #tpu.core_type<tc>, window_params = [{transform_indices = @transform_0, window_bounds = array<i64: 2000, 50>}, {transform_indices = @transform_1, window_bounds = array<i64: 2000, 128>}]} {
    %get3A = arith.constant 0 : index
    %get3A_0 = arith.constant 0 : index
    %get3A_1 = vector.load %arg1[%get3A, %get3A_0] : memref<2000x50xi32, #tpu.memory_space<vmem>>, vector<2000x50xi32>
    %swap3A = arith.constant 0 : index
    %swap3A_2 = arith.constant 0 : index
    %swap3A_3 = vector.load %arg2[%swap3A, %swap3A_2] : memref<2000x128xi32, #tpu.memory_space<vmem>>, vector<2000x50xi32>
    tpu.vector_store %arg2[%swap3A, %swap3A_2], %get3A_1 {strides = array<i32>} : memref<2000x128xi32, #tpu.memory_space<vmem>>, vector<2000x50xi32>,
    return
  }
  func.func @transform_0(%arg0: i32) -> (i32, i32) {
    %c0_i32 = arith.constant 0 : i32
    %c0_i32_0 = arith.constant 0 : i32
    return %arg0, %c0_i32 : i32, i32
  }
  func.func @transform_1(%arg0: i32) -> (i32, i32) {
    %c0_i32 = arith.constant 0 : i32
    %c0_i32_0 = arith.constant 0 : i32
    return %arg0, %c0_i32 : i32, i32
  }
}

module attributes {stable_mosaic.version = 14 : i64} {
  func.func @_pool_body(%arg0: i32, %arg1: memref<49x128x256xf32, #tpu.memory_space<vmem>>, %arg2: memref<256x128xf32, #tpu.memory_space<vmem>>) attributes {dimension_semantics = [#tpu.dimension_semantics<arbitrary>], iteration_bounds = array<i64: 8>, scalar_prefetch = 0 : i64, scratch_operands = 0 : i64, tpu.core_type = #tpu.core_type<tc>, window_params = [{transform_indices = @transform_0, window_bounds = array<i64: 49, 128, 256>}, {transform_indices = @transform_1, window_bounds = array<i64: 256, 128>}]} {
    %get3A = arith.constant 0 : index
    %get3A_0 = arith.constant 0 : index
    %get3A_1 = arith.constant 0 : index
    %get3A_2 = vector.load %arg1[%get3A, %get3A_0, %get3A_1] : memref<49x128x256xf32, #tpu.memory_space<vmem>>, vector<49x128x256xf32>
    %reduce_max3A = arith.constant dense<0xFF800000> : vector<128x256xf32>
    %reduce_max3A_3 = vector.multi_reduction <maximumf>, %get3A_2, %reduce_max3A [0] : vector<49x128x256xf32> to vector<128x256xf32>
    %mul3A = arith.mulf %reduce_max3A_3, %reduce_max3A_3 : vector<128x256xf32>
    %reduce_sum3A = arith.constant dense<0.000000e+00> : vector<128xf32>
    %reduce_sum3A_4 = vector.multi_reduction <add>, %mul3A, %reduce_sum3A [1] : vector<128x256xf32> to vector<128xf32>
    %broadcast_in_dim3A = vector.shape_cast %reduce_sum3A_4 : vector<128xf32> to vector<128x1xf32>
    %sqrt3A = math.sqrt %broadcast_in_dim3A : vector<128x1xf32>
    %max3A = arith.constant 9.99999993E-9 : f32
    %max3A_5 = vector.broadcast %max3A : f32 to vector<128x1xf32>
    %max3A_6 = arith.maximumf %sqrt3A, %max3A_5 : vector<128x1xf32>
    %div3A = vector.broadcast %max3A_6 : vector<128x1xf32> to vector<128x256xf32>
    %div3A_7 = arith.divf %reduce_max3A_3, %div3A : vector<128x256xf32>
    %transpose3A = tpu.transpose %div3A_7, [1, 0] : vector<128x256xf32> -> vector<256x128xf32>
    %swap3A = arith.constant 0 : index
    %swap3A_8 = arith.constant 0 : index
    %swap3A_9 = vector.load %arg2[%swap3A, %swap3A_8] : memref<256x128xf32, #tpu.memory_space<vmem>>, vector<256x128xf32>
    tpu.vector_store %arg2[%swap3A, %swap3A_8], %transpose3A {strides = array<i32>} : memref<256x128xf32, #tpu.memory_space<vmem>>, vector<256x128xf32>,
    return
  }
  func.func @transform_0(%arg0: i32) -> (i32, i32, i32) {
    %c0_i32 = arith.constant 0 : i32
    %c0_i32_0 = arith.constant 0 : i32
    %c0_i32_1 = arith.constant 0 : i32
    return %c0_i32, %arg0, %c0_i32_0 : i32, i32, i32
  }
  func.func @transform_1(%arg0: i32) -> (i32, i32) {
    %c0_i32 = arith.constant 0 : i32
    %c0_i32_0 = arith.constant 0 : i32
    return %c0_i32, %arg0 : i32, i32
  }
}

module attributes {stable_mosaic.version = 14 : i64} {
  func.func @_sim_argmax_body(%arg0: i32, %arg1: memref<256x1024xf32, #tpu.memory_space<vmem>>, %arg2: memref<2000x256xf32, #tpu.memory_space<vmem>>, %arg3: memref<1024xf32, #tpu.memory_space<vmem>>, %arg4: memref<1024xi32, #tpu.memory_space<vmem>>) attributes {dimension_semantics = [#tpu.dimension_semantics<arbitrary>], iteration_bounds = array<i64: 50>, scalar_prefetch = 0 : i64, scratch_operands = 0 : i64, tpu.core_type = #tpu.core_type<tc>, window_params = [{pipeline_mode = #tpu.pipeline_mode<synchronous>, transform_indices = @transform_0, window_bounds = array<i64: 256, 1024>}, {transform_indices = @transform_1, window_bounds = array<i64: 2000, 256>}, {pipeline_mode = #tpu.pipeline_mode<synchronous>, transform_indices = @transform_2, window_bounds = array<i64: 1024>}, {pipeline_mode = #tpu.pipeline_mode<synchronous>, transform_indices = @transform_3, window_bounds = array<i64: 1024>}]} {
    %get3A = arith.constant 0 : index
    %get3A_0 = arith.constant 0 : index
    %get3A_1 = vector.load %arg2[%get3A, %get3A_0] : memref<2000x256xf32, #tpu.memory_space<vmem>>, vector<2000x256xf32>
    %mul3A = arith.mulf %get3A_1, %get3A_1 : vector<2000x256xf32>
    %reduce_sum3A = arith.constant dense<0.000000e+00> : vector<2000xf32>
    %reduce_sum3A_2 = vector.multi_reduction <add>, %mul3A, %reduce_sum3A [1] : vector<2000x256xf32> to vector<2000xf32>
    %broadcast_in_dim3A = vector.shape_cast %reduce_sum3A_2 : vector<2000xf32> to vector<2000x1xf32>
    %sqrt3A = math.sqrt %broadcast_in_dim3A : vector<2000x1xf32>
    %max3A = arith.constant 9.99999993E-9 : f32
    %max3A_3 = vector.broadcast %max3A : f32 to vector<2000x1xf32>
    %max3A_4 = arith.maximumf %sqrt3A, %max3A_3 : vector<2000x1xf32>
    %div3A = vector.broadcast %max3A_4 : vector<2000x1xf32> to vector<2000x256xf32>
    %div3A_5 = arith.divf %get3A_1, %div3A : vector<2000x256xf32>
    %get3A_6 = arith.constant 0 : index
    %get3A_7 = arith.constant 0 : index
    %get3A_8 = vector.load %arg1[%get3A_6, %get3A_7] : memref<256x1024xf32, #tpu.memory_space<vmem>>, vector<256x1024xf32>
    %dot_general3A = arith.constant dense<0.000000e+00> : vector<2000x1024xf32>
    %dot_general3A_9 = tpu.matmul %div3A_5, %get3A_8, %dot_general3A {dimension_numbers = #tpu.dot_dimension_numbers<[1], [0], [0], [1], [0, 0, 1, 1], [], []>, transpose_lhs_hint = false} : vector<2000x256xf32>, vector<256x1024xf32>, vector<2000x1024xf32> -> vector<2000x1024xf32>
    %reduce_max3A = arith.constant dense<0xFF800000> : vector<1024xf32>
    %reduce_max3A_10 = vector.multi_reduction <maximumf>, %dot_general3A_9, %reduce_max3A [0] : vector<2000x1024xf32> to vector<1024xf32>
    %iota3A = tpu.iota {dimensions = array<i32: 0>} : vector<2000x1024xi32>
    %broadcast_in_dim3A_11 = vector.shape_cast %reduce_max3A_10 : vector<1024xf32> to vector<1x1024xf32>
    %eq3A = vector.broadcast %broadcast_in_dim3A_11 : vector<1x1024xf32> to vector<2000x1024xf32>
    %eq3A_12 = arith.cmpf oeq, %dot_general3A_9, %eq3A : vector<2000x1024xf32>
    %jit3A = arith.constant 2147483647 : i32
    %broadcast_in_dim3A_13 = vector.broadcast %jit3A : i32 to vector<2000x1024xi32>
    %select_n3A = arith.select %eq3A_12, %iota3A, %broadcast_in_dim3A_13 : vector<2000x1024xi1>, vector<2000x1024xi32>
    %reduce_min3A = arith.constant dense<2147483647> : vector<1024xi32>
    %reduce_min3A_14 = vector.multi_reduction <minsi>, %select_n3A, %reduce_min3A [0] : vector<2000x1024xi32> to vector<1024xi32>
    %mul3A_15 = arith.constant 2000 : i32
    %mul3A_16 = arith.muli %arg0, %mul3A_15 : i32
    %add3A = vector.broadcast %mul3A_16 : i32 to vector<1024xi32>
    %add3A_17 = arith.addi %reduce_min3A_14, %add3A : vector<1024xi32>
    %eq3A_18 = arith.constant 0 : i32
    %eq3A_19 = arith.cmpi eq, %arg0, %eq3A_18 : i32
    %convert_element_type3A = arith.extui %eq3A_19 : i1 to i32
    %cond3A = arith.constant 0 : i32
    %cond3A_20 = arith.cmpi ne, %convert_element_type3A, %cond3A : i32
    scf.if %cond3A_20 {
      %swap3A = arith.constant 0 : index
      %swap3A_25 = vector.load %arg3[%swap3A] : memref<1024xf32, #tpu.memory_space<vmem>>, vector<1024xf32>
      tpu.vector_store %arg3[%swap3A], %reduce_max3A_10 {strides = array<i32>} : memref<1024xf32, #tpu.memory_space<vmem>>, vector<1024xf32>,
      %swap3A_26 = arith.constant 0 : index
      %swap3A_27 = vector.load %arg4[%swap3A_26] : memref<1024xi32, #tpu.memory_space<vmem>>, vector<1024xi32>
      tpu.vector_store %arg4[%swap3A_26], %add3A_17 {strides = array<i32>} : memref<1024xi32, #tpu.memory_space<vmem>>, vector<1024xi32>,
    } else {
    }
    %gt3A = arith.constant 0 : i32
    %gt3A_21 = arith.cmpi sgt, %arg0, %gt3A : i32
    %convert_element_type3A_22 = arith.extui %gt3A_21 : i1 to i32
    %cond3A_23 = arith.constant 0 : i32
    %cond3A_24 = arith.cmpi ne, %convert_element_type3A_22, %cond3A_23 : i32
    scf.if %cond3A_24 {
      %get3A_25 = arith.constant 0 : index
      %get3A_26 = vector.load %arg3[%get3A_25] : memref<1024xf32, #tpu.memory_space<vmem>>, vector<1024xf32>
      %gt3A_27 = arith.cmpf ogt, %reduce_max3A_10, %get3A_26 : vector<1024xf32>
      %get3A_28 = arith.constant 0 : index
      %get3A_29 = vector.load %arg3[%get3A_28] : memref<1024xf32, #tpu.memory_space<vmem>>, vector<1024xf32>
      %select_n3A_30 = arith.select %gt3A_27, %reduce_max3A_10, %get3A_29 : vector<1024xi1>, vector<1024xf32>
      %swap3A = arith.constant 0 : index
      %swap3A_31 = vector.load %arg3[%swap3A] : memref<1024xf32, #tpu.memory_space<vmem>>, vector<1024xf32>
      tpu.vector_store %arg3[%swap3A], %select_n3A_30 {strides = array<i32>} : memref<1024xf32, #tpu.memory_space<vmem>>, vector<1024xf32>,
      %get3A_32 = arith.constant 0 : index
      %get3A_33 = vector.load %arg4[%get3A_32] : memref<1024xi32, #tpu.memory_space<vmem>>, vector<1024xi32>
      %select_n3A_34 = arith.select %gt3A_27, %add3A_17, %get3A_33 : vector<1024xi1>, vector<1024xi32>
      %swap3A_35 = arith.constant 0 : index
      %swap3A_36 = vector.load %arg4[%swap3A_35] : memref<1024xi32, #tpu.memory_space<vmem>>, vector<1024xi32>
      tpu.vector_store %arg4[%swap3A_35], %select_n3A_34 {strides = array<i32>} : memref<1024xi32, #tpu.memory_space<vmem>>, vector<1024xi32>,
    } else {
    }
    return
  }
  func.func @transform_0(%arg0: i32) -> (i32, i32) {
    %c0_i32 = arith.constant 0 : i32
    %c0_i32_0 = arith.constant 0 : i32
    %c0_i32_1 = arith.constant 0 : i32
    return %c0_i32, %c0_i32_0 : i32, i32
  }
  func.func @transform_1(%arg0: i32) -> (i32, i32) {
    %c0_i32 = arith.constant 0 : i32
    %c0_i32_0 = arith.constant 0 : i32
    return %arg0, %c0_i32 : i32, i32
  }
  func.func @transform_2(%arg0: i32) -> i32 {
    %c0_i32 = arith.constant 0 : i32
    %c0_i32_0 = arith.constant 0 : i32
    return %c0_i32 : i32
  }
  func.func @transform_3(%arg0: i32) -> i32 {
    %c0_i32 = arith.constant 0 : i32
    %c0_i32_0 = arith.constant 0 : i32
    return %c0_i32 : i32
  }
}

module attributes {stable_mosaic.version = 14 : i64} {
  func.func @_oha_body(%arg0: i32, %arg1: memref<32x128xi32, #tpu.memory_space<vmem>>, %arg2: memref<32x56x1024xf32, #tpu.memory_space<vmem>>) attributes {dimension_semantics = [#tpu.dimension_semantics<arbitrary>], iteration_bounds = array<i64: 32>, scalar_prefetch = 0 : i64, scratch_operands = 0 : i64, tpu.core_type = #tpu.core_type<tc>, window_params = [{transform_indices = @transform_0, window_bounds = array<i64: 32, 128>}, {transform_indices = @transform_1, window_bounds = array<i64: 32, 56, 1024>}]} {
    %get3A = arith.constant 0 : index
    %get3A_0 = arith.constant 0 : index
    %get3A_1 = vector.load %arg1[%get3A, %get3A_0] : memref<32x128xi32, #tpu.memory_space<vmem>>, vector<32x128xi32>
    %slice3A = vector.extract_strided_slice %get3A_1 {offsets = [0, 0], sizes = [32, 56], strides = [1, 1]} : vector<32x128xi32> to vector<32x56xi32>
    %iota3A = tpu.iota {dimensions = array<i32: 2>} : vector<32x56x1024xi32>
    %broadcast_in_dim3A = vector.shape_cast %slice3A : vector<32x56xi32> to vector<32x56x1xi32>
    %eq3A = vector.broadcast %broadcast_in_dim3A : vector<32x56x1xi32> to vector<32x56x1024xi32>
    %eq3A_2 = arith.cmpi eq, %eq3A, %iota3A : vector<32x56x1024xi32>
    %convert_element_type3A = arith.extui %eq3A_2 : vector<32x56x1024xi1> to vector<32x56x1024xi32>
    %convert_element_type3A_3 = arith.sitofp %convert_element_type3A : vector<32x56x1024xi32> to vector<32x56x1024xf32>
    %swap3A = arith.constant 0 : index
    %swap3A_4 = arith.constant 0 : index
    %swap3A_5 = arith.constant 0 : index
    %swap3A_6 = vector.load %arg2[%swap3A, %swap3A_4, %swap3A_5] : memref<32x56x1024xf32, #tpu.memory_space<vmem>>, vector<32x56x1024xf32>
    tpu.vector_store %arg2[%swap3A, %swap3A_4, %swap3A_5], %convert_element_type3A_3 {strides = array<i32>} : memref<32x56x1024xf32, #tpu.memory_space<vmem>>, vector<32x56x1024xf32>,
    return
  }
  func.func @transform_0(%arg0: i32) -> (i32, i32) {
    %c0_i32 = arith.constant 0 : i32
    %c0_i32_0 = arith.constant 0 : i32
    return %arg0, %c0_i32 : i32, i32
  }
  func.func @transform_1(%arg0: i32) -> (i32, i32, i32) {
    %c0_i32 = arith.constant 0 : i32
    %c0_i32_0 = arith.constant 0 : i32
    %c0_i32_1 = arith.constant 0 : i32
    return %arg0, %c0_i32, %c0_i32_0 : i32, i32, i32
  }
}

</mosaic_0001>

<sc_bundles>
// kernel: kernel.7.cloned.1.call-start
scs
__scs_entry_jumppad:
0x0: {  	(pc) =	sbr.rel $0x88, $3  }
0x1: {  	(tag) =	ssettag $0x0;
	lr =	simm.s32 $0x1  }
0x2: {  	[smem:$0x3F9E] =	sst lr;
	_ =	strace $0xD0000000  }
0x3: {  	_ = 	snop  }
0x4: {  	_ = 	snop  }
0x5: {  	_ = 	snop  }
0x6: {  	_ = 	snop  }
0x7: {  	_ = 	snop  }
__scs_overlays_trampoline_lowered:
0x8: {  	[smem:$0x3FAD] =	sst s0  }
0x9: {  	[smem:$0x3FAE] =	sst s1  }
0xa: {  	[smem:$0x3FAF] =	sst s2  }
0xb: {  	[smem:$0x3FB0] =	sst s3  }
0xc: {  	[smem:$0x3FB1] =	sst s4  }
0xd: {  	[smem:$0x3FB2] =	sst s5  }
0xe: {  	[smem:$0x3FB3] =	sst s6  }
0xf: {  	[smem:$0x3FB4] =	sst s7  }
0x10: {  	[smem:$0x3FB5] =	sst s8  }
0x11: {  	[smem:$0x3FB6] =	sst s9;
	s0 =	simm.s32 @!p0 $0x0  }
0x12: {  	s1 =	sld [smem:$0x3F9C];
	s0 =	simm.s32 @p0 $0x1  }
0x13: {  	[smem:$0x3FB7] =	sst s0;
	s0 =	simm.s32 @!p1 $0x0  }
0x14: {  	s2 =	sld [smem:$0x3F9B];
	s0 =	simm.s32 @p1 $0x1  }
0x15: {  	[smem:$0x3FB8] =	sst s0;
	s0 =	simm.s32 @!p2 $0x0  }
0x16: {  	s3 =	sld [smem:$0x3FDB];
	s0 =	simm.s32 @p2 $0x1  }
0x17: {  	s4 =	simm.s32 $0x1BF5;
	[smem:$0x3FBA] =	sst s0  }
0x18: {  	s0 =	sld [smem:$0x3F9D];
	_ =	swait.ge [sflag:s4], $0x0  }
0x19: {  	s7 =	sld [smem:$0x3F9E]  }
0x1a: {  	s8 =	sadd.s32 $0xFFFFE003, lr  }
0x1b: {  	s9 =	sadd.s32 $0xFFFFFEF7, lr;
	s5 =	simm.s32 $0xFFFFFFFF;
	p2 =	slt.u32 s8, $0xFFFFF086  }
0x1c: {  	p1 =	slt.u32 s9, $0xF7A;
	s5 =	simm.s32 @!p2 $0x0  }
0x1d: {  	s5 =	simm.s32 @p1 $0x1;
	p0 =	seq.s32 s7, s2  }
0x1e: {  	s7 =	smul.u32 @!p0 $0xF7A, s2;
	p2 =	seq.s32 @!p0 s5, $0x0  }
0x1f: {  	s9 =	smul.u32 $0xF7A, s1;
	s8 =	simm.s32 @!p0 $0x1BF5;
	p2 =	por !p2, p0  }
0x20: {  	[sflag:s8] =	ssyncset.s32 @!p0 $0xFFFFF086;
	s6 =	sadd.s32 @!p0 s3, s7;
	s7 =	simm.s32 @!p0 $0x108  }
0x21: {  	s3 =	sadd.s32 s3, s9;
	s6 =	sadd.s32 @!p0 $0x88, s6;
	s7 =	simm.s32 @p2 $0x1082  }
0x22: {  	[simem:s7], [sflag:s8] =	dma.local @!p0 [hbm:s6], $0xF7A  }
0x23: {  	s9 =	sor.u32 $0xD0000000, s2;
	s6 =	simm.s32 $0x108;
	_ =	swait.ge @!p0 [sflag:s8], $0x0  }
0x24: {  	s3 =	sadd.s32 $0x88, s3;
	s6 =	simm.s32 @!p1 $0x1082;
	[sflag:s4] =	ssyncset.s32 $0xFFFFF086  }
0x25: {  	[simem:s6], [sflag:s4] =	dma.local [hbm:s3], $0xF7A  }
0x26: {  	[smem:$0x3F9E] =	sst s1;
	(tag) =	ssettag s2;
	_ =	strace s9  }
0x27: {  	s1 =	sld [smem:$0x3FAE]  }
0x28: {  	s2 =	sld [smem:$0x3FAF]  }
0x29: {  	s4 =	sld [smem:$0x3FB1]  }
0x2a: {  	p0 =	seq.s32 s5, $0x0;
	s5 =	sld [smem:$0x3FB2]  }
0x2b: {  	s6 =	sld [smem:$0x3FB3]  }
0x2c: {  	s7 =	sld [smem:$0x3FB4]  }
0x2d: {  	s3 =	simm.s32 $0x108;
	s8 =	sld [smem:$0x3FB5]  }
0x2e: {  	s3 =	simm.s32 @!p0 $0x1082;
	s9 =	sld [smem:$0x3FB6]  }
0x2f: {  	lr =	sadd.s32 s0, s3;
	s0 =	sld [smem:$0x3FAD]  }
0x30: {  	s3 =	sld [smem:$0x3FB0]  }
0x31: {  	[smem:$0x3FB9] =	sst s10  }
0x32: {  	s10 =	sld [smem:$0x3FB7];
	_ =	sdelay $0x3  }
0x33: {  	p0 =	seq.s32 s10, $0x1;
	s10 =	sld [smem:$0x3FB9];
	_ =	sdelay $0x3  }
0x34: {  	[smem:$0x3FB9] =	sst s10  }
0x35: {  	s10 =	sld [smem:$0x3FB8];
	_ =	sdelay $0x3  }
0x36: {  	p1 =	seq.s32 s10, $0x1;
	s10 =	sld [smem:$0x3FB9];
	_ =	sdelay $0x3  }
0x37: {  	[smem:$0x3FB9] =	sst s10  }
0x38: {  	s10 =	sld [smem:$0x3FBA]  }
0x39: {  	_ = 	snop;
	(pc) =	sbr.ind lr, $3  }
0x3a: {  	_ = 	snop  }
0x3b: {  	_ = 	snop  }
0x3c: {  	p2 =	seq.s32 s10, $0x1;
	s10 =	sld [smem:$0x3FB9]  }
0x3d: {  	_ =	shalt  }
0x3e: {  	_ =	shalt  }
0x3f: {  	_ =	shalt  }
0x40: {  	_ =	shalt  }
0x41: {  	_ =	shalt  }
0x42: {  	_ =	shalt  }
0x43: {  	_ =	shalt  }
0x44: {  	_ =	shalt  }
0x45: {  	_ =	shalt  }
0x46: {  	_ =	shalt  }
0x47: {  	_ =	shalt  }
0x48: {  	_ =	shalt  }
0x49: {  	_ =	shalt  }
0x4a: {  	_ =	shalt  }
0x4b: {  	_ =	shalt  }
0x4c: {  	_ =	shalt  }
0x4d: {  	_ =	shalt  }
0x4e: {  	_ =	shalt  }
0x4f: {  	_ =	shalt  }
0x50: {  	_ =	shalt  }
0x51: {  	_ =	shalt  }
0x52: {  	_ =	shalt  }
0x53: {  	_ =	shalt  }
0x54: {  	_ =	shalt  }
0x55: {  	_ =	shalt  }
0x56: {  	_ =	shalt  }
0x57: {  	_ =	shalt  }
0x58: {  	_ =	shalt  }
0x59: {  	_ =	shalt  }
0x5a: {  	_ =	shalt  }
0x5b: {  	_ =	shalt  }
0x5c: {  	_ =	shalt  }
0x5d: {  	_ =	shalt  }
0x5e: {  	_ =	shalt  }
0x5f: {  	_ =	shalt  }
0x60: {  	_ =	shalt  }
0x61: {  	_ =	shalt  }
0x62: {  	_ =	shalt  }
0x63: {  	_ =	shalt  }
0x64: {  	_ =	shalt  }
0x65: {  	_ =	shalt  }
0x66: {  	_ =	shalt  }
0x67: {  	_ =	shalt  }
0x68: {  	_ =	shalt  }
0x69: {  	_ =	shalt  }
0x6a: {  	_ =	shalt  }
0x6b: {  	_ =	shalt  }
0x6c: {  	_ =	shalt  }
0x6d: {  	_ =	shalt  }
0x6e: {  	_ =	shalt  }
0x6f: {  	_ =	shalt  }
0x70: {  	_ =	shalt  }
0x71: {  	_ =	shalt  }
0x72: {  	_ =	shalt  }
0x73: {  	_ =	shalt  }
0x74: {  	_ =	shalt  }
0x75: {  	_ =	shalt  }
0x76: {  	_ =	shalt  }
0x77: {  	_ =	shalt  }
0x78: {  	_ =	shalt  }
0x79: {  	_ =	shalt  }
0x7a: {  	_ =	shalt  }
0x7b: {  	_ =	shalt  }
0x7c: {  	_ =	shalt  }
0x7d: {  	_ =	shalt  }
0x7e: {  	_ =	shalt  }
0x7f: {  	_ =	shalt  }
0x80: {  	_ =	shalt  }
0x81: {  	_ =	shalt  }
0x82: {  	_ =	shalt  }
0x83: {  	_ =	shalt  }
0x84: {  	_ =	shalt  }
0x85: {  	_ =	shalt  }
0x86: {  	_ =	shalt  }
0x87: {  	_ =	shalt  }
.Lfunc_end0:
.L_simem_size_0:
called_computation.1_lowered:
.L_overlay_start_0:
0x88: {  	s2 =	sld [smem:$0x3FD9]  }
0x89: {  	s3 =	sld [smem:$0x3FFE];
	_ =	sdelay $0x1  }
0x8a: {  	s1 =	srdreg.scid  }
0x8b: {  	s0 =	sand.u32 $0x1, s1  }
0x8c: {  	s17 =	sshll.u32 s0, $0xA;
	s2 =	sadd.s32 s3, s2  }
0x8d: {  	s2 =	sadd.s32 s2, s17  }
0x8e: {  	[smem:$0x3FC5] =	sst s2  }
0x8f: {  	_ = 	snop  }
0x90: {  	s2 =	sld [smem:$0x3FD0];
	(tm) =	ssettm $0x1  }
0x91: {  	s18 =	sld [smem:$0x3FFB];
	_ =	sdelay $0x3  }
0x92: {  	_ =	strace s18  }
0x93: {  	s3 =	sld [smem:$0x3FFC];
	_ =	sdelay $0x3  }
0x94: {  	_ =	strace s3  }
0x95: {  	s3 =	sld [smem:$0x3FFD];
	_ =	sdelay $0x3  }
0x96: {  	_ =	strace s3  }
0x97: {  	_ =	strace $0x8FFFFFFF  }
0x98: {  	s19 =	sld [smem:$0x3FDB];
	_ =	sdelay $0x1  }
0x99: {  	s4 =	simm.s32 $_scs_section_size  }
0x9a: {  	s5 =	simm.s32 $_size__tile_overlayer_lowered;
	s6 =	simm.s32 $_tile_overlayer_lowered  }
0x9b: {  	s22 =	simm.s32 $0x1BFF;
	s21 =	sshll.u32 s6, $0x1;
	s3 =	sadd.s32 s4, s19  }
0x9c: {  	s7 =	simm.s32 $0x0;
	s20 =	sshll.u32 s5, $0x1;
	s5 =	sadd.s32 s21, s3  }
0x9d: {  	[timem:s7], [sflag:s22] =	dma.local [hbm:s5], s20  }
0x9e: {  	_ =	swait.ge [sflag:s22], s20  }
0x9f: {  	s4 =	ssub.s32 $0x0, s20;
	[sflag:s22] =	ssyncset.done $0x0  }
0xa0: {  	[sflag:s22] =	ssyncadd.s32 s4;
	_ =	sdelay $0x1  }
0xa1: {  	s23 =	simm.s32 $0x1B8B  }
0xa2: {  	_ =	swait.ge [sflag:s23], $0x1  }
0xa3: {  	[sflag:s23] =	ssyncset.done $0x0  }
0xa4: {  	s25 =	simm.s32 $0x1B8E;
	s24 =	sld [smem:$0x3FFE];
	[sflag:s23] =	ssyncadd.s32 $0xFFFFFFFF  }
0xa5: {  	s26 =	simm.s32 $execute0_lowered;
	[smem:$0x3FD2] =	sst s25  }
0xa6: {  	s5 =	sshll.u32 s26, $0x1;
	_ =	strace $0x80000046;
	[dreg:$0x1] =	wrdreg $0xFFFFFFFF  }
0xa7: {  	s28 =	simm.s32 $_size_execute0_lowered;
	s3 =	sadd.s32 s3, s5;
	[dreg:$0x0] =	wrdreg $0x0  }
0xa8: {  	s5 =	sshll.u32 s28, $0x1;
	[dreg:$0x2] =	wrdreg s3  }
0xa9: {  	[dreg:$0x3] =	wrdreg s5  }
0xaa: {  	[dreg:$0x4] =	wrdreg $0xC0  }
0xab: {  	_ =	task [dreg:s7], $0x5FFFF  }
0xac: {  	[dreg:$0x1] =	wrdreg $0xFFFFFFFF  }
0xad: {  	[dreg:$0x0] =	wrdreg $0x60  }
0xae: {  	[dreg:$0x2] =	wrdreg s24  }
0xaf: {  	[dreg:$0x3] =	wrdreg s2  }
0xb0: {  	[dreg:$0x4] =	wrdreg $0x9  }
0xb1: {  	_ =	task.clear_ibuf [dreg:s7], $0x5FFFF;
	_ =	strace $0x90000046  }
0xb2: {  	s29 =	simm.s32 $0x9;
	_ =	strace $0x80000048  }
0xb3: {  	_ =	swait.ge [sflag:s29], $0x1  }
0xb4: {  	[sflag:s29] =	ssyncadd.s32 $0xFFFFFFFF  }
0xb5: {  	_ =	strace $0x90000048  }
0xb6: {  	_ =	sfence  }
0xb7: {  	s30 =	sld [smem:$0x0];
	_ =	sdelay $0x2  }
0xb8: {  	s31 =	sshll.u32 s1, $0xD;
	s1 =	sshrl.u32 s1, $0x2  }
0xb9: {  	s3 =	sand.u32 $0x4000, s31;
	s1 =	sadd.s32 s1, s30  }
0xba: {  	s0 =	sor.u32 s3, s0;
	s1 =	sshll.u32 s1, $0x11  }
0xbb: {  	s0 =	sor.u32 s1, s0  }
0xbc: {  	s0 =	sadd.s32 $0x8F2B, s0  }
0xbd: {  	[sflag:s0] =	ssyncadd.remote.s32 $0x1  }
0xbe: {  	_ =	sfence.sel $0xFFFF  }
0xbf: {  	[dreg:$0x0] =	wrdreg $0xFFFFFFFF;
	(pc) =	sbr.abs _section_cstart, $3  }
0xc0: {  	[dreg:$0x1] =	wrdreg $0xFFFFFFFF  }
0xc1: {  	_ =	task.clear_ibuf [dreg:s7], $0x2FFFF;
	_ =	strace $0x9FFFFFFF  }
0xc2: {  	(tm) =	ssettm $0x7FFFFFFF  }
0xc3: {  	_ =	shalt  }
tec
execute0_lowered:
.L_overlay_start_1:
0x0: {  	(tag) =	ssettag $0x1  }
0x1: {  	s1 =	srdreg.scid  }
0x2: {  	s0 =	stileid.u32;
	s6 =	sand.u32 $0x1, s1  }
0x3: {  	s5 =	rddreg [dreg:$0x0];
	s30 =	sshll.u32 s0, $0x6;
	s2 =	sshll.u32 s6, $0x5  }
0x4: {  	s9 =	rddreg [dreg:$0x1];
	s7 =	simm.s32 $0x80;
	s10 =	sor.u32 s2, s30  }
0x5: {  	s1 =	rddreg [dreg:$0x2];
	s2 =	simm.s32 $0x0;
	s3 =	sshrl.u32 s10, $0x3  }
0x6: {  	s11 =	ssub.s32 $0x2, s6;
	[smem:$0x7FF] =	sst s2;
	s3 =	sadd.s32 s3, s5  }
0x7: {  	_ =	strace $0x80000047;
	s4 =	sadd.s32 $0x189000, s3;
	s3 =	simm.s32 $0x2  }
0x8: {  	[tilespmem:s2], [sflag:$0x2] =	stream.linear.gather [hbm4b:s4+s2], $0x20, $0x38;
	[tilespmem:$0x1080] =	vst v63  }
0x9: {  	s8 =	simm.s32 $0x1;
	s12 =	sshrl.u32 s11, $0x1;
	_ =	swait.ge [sflag:s3], $0x20  }
0xa: {  	s6 =	simm.s32 $0x20;
	s11 =	ssub.s32 s11, s12;
	[sflag:s3] =	ssyncset.done $0x0  }
0xb: {  	s5 =	sadd.s32 $0x2600, s5;
	s31 =	smax.u32 s11, $0x1;
	[sflag:s3] =	ssyncadd.s32 $0xFFFFFFE0  }
0xc: {  	[tilespmem:s7], [sflag:$0x1] =	stream.indirect.gather [hbm4b:s5+s6], $0x80, s2, s6, $0xb8;
	[tilespmem:$0x1080] =	vst v63  }
0xd: {  	p0 =	sne.s32 s31, $0x1;
	_ =	swait.ge [sflag:s8], $0x1000  }
.Ltmp0:
0xe: {  	s10 =	sshll.u32 s10, $0x4;
	[sflag:s8] =	ssyncset.done $0x0;
	(pc) =	sbr.rel @!p0 .LBB2_2-.Ltmp0, $4  }
0xf: {  	s9 =	sadd.s32 s9, s10;
	[sflag:s8] =	ssyncadd.s32 $0xFFFFF000  }
0x10: {  	[hbm4b:s9+s2] =	stream.linear.scatter [tilespmem:s7], [sflag:$0x2], $0x1000, $0x38;
	[tilespmem:$0x1080] =	vst v63  }
0x11: {  	_ =	swait.ge [sflag:s3], $0x1000  }
0x12: {  	s10 =	sadd.s32 $0xFFFFFFFF, s31;
	[sflag:s3] =	ssyncset.done $0x0  }
.LBB2_1:
0x13: {  	p0 =	sne.s32 s10, $0x1;
	s10 =	sadd.s32 $0xFFFFFFFF, s10;
	[sflag:s3] =	ssyncadd.s32 $0xFFFFF000  }
0x14: {  	[tilespmem:s2], [sflag:$0x2] =	stream.linear.gather [hbm4b:s4+s2], $0x20, $0x38;
	[tilespmem:$0x1080] =	vst v63  }
0x15: {  	_ =	swait.ge [sflag:s3], $0x20  }
0x16: {  	[sflag:s3] =	ssyncset.done $0x0  }
0x17: {  	[sflag:s3] =	ssyncadd.s32 $0xFFFFFFE0  }
0x18: {  	[tilespmem:s7], [sflag:$0x1] =	stream.indirect.gather [hbm4b:s5+s6], $0x80, s2, s6, $0xb8;
	[tilespmem:$0x1080] =	vst v63  }
0x19: {  	_ =	swait.ge [sflag:s8], $0x1000  }
.Ltmp1:
0x1a: {  	[sflag:s8] =	ssyncset.done $0x0;
	(pc) =	sbr.rel @p0 .LBB2_1-.Ltmp1, $4  }
0x1b: {  	[sflag:s8] =	ssyncadd.s32 $0xFFFFF000  }
0x1c: {  	[hbm4b:s9+s2] =	stream.linear.scatter [tilespmem:s7], [sflag:$0x2], $0x1000, $0x38;
	[tilespmem:$0x1080] =	vst v63  }
0x1d: {  	_ =	swait.ge [sflag:s3], $0x1000  }
0x1e: {  	[sflag:s3] =	ssyncset.done $0x0  }
.LBB2_2:
0x1f: {  	[sflag:s3] =	ssyncadd.s32 $0xFFFFF000  }
0x20: {  	_ =	sfence.sel $0x180000  }
0x21: {  	[bflag:$0x0] =	sbarrier.arrive $0xFFFF  }
0x22: {  	p0 =	sne.s32 s0, $0x0;
	_ =	strace $0x90000047  }
0x23: {  	s0 =	sadd.s32 @!p0 $0x100000, s1;
	[bflag:$0x2] =	sbarrier.arrive $0xFFFF  }
0x24: {  	[sflag:s0] =	ssyncadd.tile.s32 @!p0 $0x1;
	_ =	shalt  }
.Lfunc_end2:
_tile_overlayer_lowered:
.L_overlay_start_2:
0x25: {  	(tag) =	ssettag $0x2  }
0x26: {  	s0 =	rddreg [dreg:$0x0];
	s2 =	stileid.u32  }
0x27: {  	s1 =	rddreg [dreg:$0x1];
	p0 =	sne.s32 s2, $0x0  }
0x28: {  	s3 =	rddreg [dreg:$0x2];
	[bflag:$0x3] =	sbarrier.arrive $0xFFFF;
	s2 =	simm.s32 @!p0 $0x1C02  }
0x29: {  	[timem:s3], [sflag:s2] =	dma.local @!p0 [hbm:s0], s1  }
0x2a: {  	s0 =	simm.s32 @!p0 $0x2  }
0x2b: {  	_ =	swait.ge @!p0 [sflag:s0], s1  }
0x2c: {  	s1 =	ssub.s32 @!p0 $0x0, s1;
	[sflag:s0] =	ssyncset.done @!p0 $0x0  }
0x2d: {  	[sflag:s0] =	ssyncadd.s32 @!p0 s1  }
0x2e: {  	[bflag:$0x3] =	sbarrier.arrive $0xFFFF  }
0x2f: {  	_ =	shalt  }

// kernel: sparse-core-data-format-call.cloned.1.call-start
scs
called_computation_lowered:
.L_overlay_start_0:
0x0: {  	s2 =	sld [smem:$0x3FD9]  }
0x1: {  	s3 =	sld [smem:$0x3FFE];
	_ =	sdelay $0x1  }
0x2: {  	s1 =	srdreg.scid  }
0x3: {  	s0 =	sand.u32 $0x1, s1  }
0x4: {  	s18 =	sshll.u32 s0, $0xA;
	s2 =	sadd.s32 s3, s2  }
0x5: {  	s2 =	sadd.s32 s2, s18  }
0x6: {  	[smem:$0x3FC5] =	sst s2  }
0x7: {  	_ = 	snop  }
0x8: {  	s2 =	sld [smem:$0x3FD0];
	(tm) =	ssettm $0x1  }
0x9: {  	s19 =	sld [smem:$0x3FFB];
	_ =	sdelay $0x3  }
0xa: {  	_ =	strace s19  }
0xb: {  	s3 =	sld [smem:$0x3FFC];
	_ =	sdelay $0x3  }
0xc: {  	_ =	strace s3  }
0xd: {  	s3 =	sld [smem:$0x3FFD];
	_ =	sdelay $0x3  }
0xe: {  	_ =	strace s3  }
0xf: {  	_ =	strace $0x8FFFFFFF  }
0x10: {  	s20 =	sld [smem:$0x3FDB];
	_ =	sdelay $0x1  }
0x11: {  	s4 =	simm.s32 $_scs_section_size  }
0x12: {  	s5 =	simm.s32 $_size__tile_overlayer_lowered;
	s6 =	simm.s32 $_tile_overlayer_lowered  }
0x13: {  	s23 =	simm.s32 $0x1BFF;
	s22 =	sshll.u32 s6, $0x1;
	s3 =	sadd.s32 s4, s20  }
0x14: {  	s7 =	simm.s32 $0x0;
	s21 =	sshll.u32 s5, $0x1;
	s5 =	sadd.s32 s22, s3  }
0x15: {  	[timem:s7], [sflag:s23] =	dma.local [hbm:s5], s21  }
0x16: {  	_ =	swait.ge [sflag:s23], s21  }
0x17: {  	s4 =	ssub.s32 $0x0, s21;
	[sflag:s23] =	ssyncset.done $0x0  }
0x18: {  	[sflag:s23] =	ssyncadd.s32 s4;
	_ =	sdelay $0x1  }
0x19: {  	s24 =	simm.s32 $0x1B8B  }
0x1a: {  	_ =	swait.ge [sflag:s24], $0x1  }
0x1b: {  	[sflag:s24] =	ssyncset.done $0x0  }
0x1c: {  	s26 =	simm.s32 $0x1B8E;
	s25 =	sld [smem:$0x3FFE];
	[sflag:s24] =	ssyncadd.s32 $0xFFFFFFFF  }
0x1d: {  	s27 =	simm.s32 $execute0_lowered;
	[smem:$0x3FD2] =	sst s26  }
0x1e: {  	s5 =	sshll.u32 s27, $0x1;
	_ =	strace $0x80000049;
	[dreg:$0x1] =	wrdreg $0xFFFFFFFF  }
0x1f: {  	s28 =	simm.s32 $_size_execute0_lowered;
	s3 =	sadd.s32 s3, s5;
	[dreg:$0x0] =	wrdreg $0x0  }
0x20: {  	s5 =	sshll.u32 s28, $0x1;
	[dreg:$0x2] =	wrdreg s3  }
0x21: {  	[dreg:$0x3] =	wrdreg s5  }
0x22: {  	[dreg:$0x4] =	wrdreg $0xC0  }
0x23: {  	_ =	task [dreg:s7], $0x5FFFF  }
0x24: {  	[dreg:$0x1] =	wrdreg $0xFFFFFFFF  }
0x25: {  	[dreg:$0x0] =	wrdreg $0x60  }
0x26: {  	[dreg:$0x2] =	wrdreg s25  }
0x27: {  	[dreg:$0x3] =	wrdreg s2  }
0x28: {  	[dreg:$0x4] =	wrdreg $0x9  }
0x29: {  	_ =	task.clear_ibuf [dreg:s7], $0x5FFFF;
	_ =	strace $0x90000049  }
0x2a: {  	s29 =	simm.s32 $0x9;
	_ =	strace $0x8000004B  }
0x2b: {  	_ =	swait.ge [sflag:s29], $0x1  }
0x2c: {  	[sflag:s29] =	ssyncadd.s32 $0xFFFFFFFF  }
0x2d: {  	_ =	strace $0x9000004B  }
0x2e: {  	_ =	sfence  }
0x2f: {  	s30 =	sld [smem:$0x0];
	_ =	sdelay $0x2  }
0x30: {  	s31 =	sshll.u32 s1, $0xD;
	s1 =	sshrl.u32 s1, $0x2  }
0x31: {  	s3 =	sand.u32 $0x4000, s31;
	s1 =	sadd.s32 s1, s30  }
0x32: {  	s0 =	sor.u32 s3, s0;
	s1 =	sshll.u32 s1, $0x11  }
0x33: {  	s0 =	sor.u32 s1, s0  }
0x34: {  	s0 =	sadd.s32 $0x8F2B, s0  }
0x35: {  	[sflag:s0] =	ssyncadd.remote.s32 $0x1  }
0x36: {  	_ =	sfence.sel $0xFFFF  }
0x37: {  	[dreg:$0x0] =	wrdreg $0xFFFFFFFF;
	(pc) =	sbr.abs _section_cstart, $3  }
0x38: {  	[dreg:$0x1] =	wrdreg $0xFFFFFFFF  }
0x39: {  	_ =	task.clear_ibuf [dreg:s7], $0x2FFFF;
	_ =	strace $0x9FFFFFFF  }
0x3a: {  	(tm) =	ssettm $0x7FFFFFFF  }
0x3b: {  	_ =	shalt  }
tec
execute0_lowered:
.L_overlay_start_1:
0x0: {  	(tag) =	ssettag $0x1  }
0x1: {  	s4 =	rddreg [dreg:$0x0]  }
0x2: {  	s0 =	stileid.u32;
	s2 =	rddreg [dreg:$0x1]  }
0x3: {  	s7 =	srdreg.scid;
	s31 =	simm.s32 $0x2;
	s17 =	simm.s32 $0x0  }
0x4: {  	s9 =	simm.s32 $0x2000;
	s19 =	simm.s32 $0x0;
	s18 =	simm.s32 $0x0  }
0x5: {  	s10 =	simm.s32 $0x0;
	s11 =	simm.s32 $0x0;
	s1 =	sshll.u32 s0, $0x7  }
0x6: {  	s12 =	simm.s32 $0x0;
	s14 =	simm.s32 $0x0;
	s3 =	sand.u32 $0x380, s1  }
0x7: {  	s16 =	simm.s32 $0x0;
	s4 =	sadd.s32 $0x2600, s4;
	s5 =	ssub.s32 $0x400, s3  }
0x8: {  	s8 =	sshll.u32 s0, $0x4;
	s7 =	sshll.u32 s7, $0x8;
	s6 =	sand.u32 $0x380, s5  }
0x9: {  	s1 =	rddreg [dreg:$0x2];
	p0 =	sne.s32 s6, $0x0;
	s6 =	simm.s32 $0x1  }
.Ltmp0:
0xa: {  	s5 =	sshrl.u32 s5, $0xA;
	s6 =	simm.s32 @!p0 $0x0;
	(pc) =	sbr.rel .LBB1_1-.Ltmp0, $4  }
0xb: {  	_ =	strace $0x8000004A;
	s7 =	sor.u32 s8, s7;
	s6 =	sadd.s32 s6, s5  }
0xc: {  	s7 =	sand.u32 $0x180, s7;
	s5 =	simm.s32 $0x1;
	s6 =	smul.u32 $0x64, s6  }
0xd: {  	s15 =	smov.u32 s3;
	s13 =	smov.u32 s7;
	[sflag:s5] =	ssyncpa.u1 $0x0  }
0xe: {  	p0 =	por $0x0, $0x0;
	[sflag:s31] =	ssyncpa.u1 $0x0;
	s8 =	sor.u32 $0x1, s6  }
.LBB1_4:
0xf: {  	s25 =	sshll.u32 s10, $0xA;
	s24 =	sshra.s32 s24, $0x2;
	s26 =	sshll.u32 s12, $0x3  }
0x10: {  	p1 =	sgt.s32 s11, $0x31;
	s27 =	smov.u32 s11;
	s28 =	sshra.s32 s11, $0x1F  }
0x11: {  	p2 =	sgt.s32 s12, $0x380;
	s31 =	sshra.s32 s12, $0x1F;
	s25 =	sand.u32 $0xFFFFE000, s25  }
0x12: {  	s26 =	sand.u32 $0xFFFFFC00, s26;
	s27 =	simm.s32 @!p1 $0x31;
	s28 =	sand.u32 s28, s11  }
0x13: {  	[tilespmem:s22+$0x2040 ss:$0x81] =	vst.msk $0xffff, v4;
	s23 =	sadd.s32 s24, s23;
	s29 =	sadd.s32 s26, s25;
	s25 =	ssub.s32 s27, s28  }
0x14: {  	[tilespmem:s22+$0x2850 ss:$0x81] =	vst.msk $0xffff, v3;
	s27 =	smov.u32 s12;
	s28 =	smov.u32 s10;
	s26 =	sand.u32 s31, s12  }
0x15: {  	[tilespmem:s22+$0x3060 ss:$0x81] =	vst.msk $0xffff, v2;
	s24 =	sshrl.u32 s29, $0xA;
	s30 =	sadd.s32 $0xFFFFFFCF, s25;
	s27 =	simm.s32 @!p2 $0x380  }
0x16: {  	v5 =	vld [tilespmem:s21+$0xFFFFFFD0];
	[tilespmem:s22+$0x0 ss:$0x81] =	vst.msk $0xffff, v1;
	p2 =	sgt.s32 s10, $0x368;
	s29 =	sshra.s32 s10, $0x1F;
	s22 =	ssub.s32 $0x32, s25  }
0x17: {  	v58 =	vld [tilespmem:s21+$0xFFFFFFE0];
	p1 =	sgt.s32 s30, $0x0;
	s28 =	simm.s32 @!p2 $0x368;
	s29 =	sand.u32 s29, s10  }
0x18: {  	v59 =	vld [tilespmem:s21+$0xFFFFFFF0];
	s26 =	ssub.s32 s27, s26;
	s27 =	smulhi.u32 $0x418938, s24;
	s28 =	ssub.s32 s28, s29  }
0x19: {  	v60 =	vld [tilespmem:s21+$0x0];
	s30 =	sadd.s32 $0xFFFFFC80, s26;
	s25 =	ssub.s32 $0x400, s26;
	s22 =	simm.s32 @p1 $0x0  }
0x1a: {  	v61 =	vld [tilespmem:s21+$0x10];
	[tilespmem:s23+$0x3870 ss:$0x81] =	vst.msk $0xffff, v0;
	s29 =	sand.u32 $0x78, s12;
	p2 =	sgt.s32 s30, $0x7F;
	s31 =	sadd.s32 $0xFFFFFC98, s28  }
0x1b: {  	v62 =	vld [tilespmem:s21+$0x20];
	[tilespmem:s23+$0x810 ss:$0x81] =	vst.msk $0xffff, v5;
	s27 =	smul.u32 $0x3E8, s27;
	s30 =	sshll.u32 s10, $0x7;
	s28 =	ssub.s32 $0x3E8, s28  }
0x1c: {  	v63 =	vld [tilespmem:s21+$0xFFFFFFC0];
	[tilespmem:s23+$0x1020 ss:$0x81] =	vst.msk $0xffff, v58;
	s25 =	simm.s32 @p2 $0x0;
	p1 =	sgt.s32 s31, $0x7F;
	s31 =	smul.u32 $0x1F400, s11  }
0x1d: {  	[tilespmem:s23+$0x1830 ss:$0x81] =	vst.msk $0xffff, v59;
	s21 =	sand.u32 $0x380, s30;
	s22 =	smul.u32 s25, s22;
	s28 =	simm.s32 @p1 $0x0  }
0x1e: {  	[tilespmem:s23+$0x2040 ss:$0x81] =	vst.msk $0xffff, v60;
	s21 =	sor.u32 s29, s21;
	s24 =	ssub.s32 s24, s27;
	s29 =	sand.u32 $0x7, s12  }
0x1f: {  	[tilespmem:s23+$0x2850 ss:$0x81] =	vst.msk $0xffff, v61;
	s21 =	sshrl.u32 s21, $0x3;
	s25 =	sadd.s32 s2, s31;
	s22 =	smul.u32 s28, s22  }
0x20: {  	[tilespmem:s23+$0x3060 ss:$0x81] =	vst.msk $0xffff, v62;
	s24 =	sshll.u32 s24, $0x7;
	s30 =	sshll.u32 s29, $0x12;
	s21 =	sadd.s32 s21, s25  }
0x21: {  	[tilespmem:s23+$0x0 ss:$0x81] =	vst.msk $0xffff, v63;
	s31 =	sor.u32 $0x400, s30;
	s21 =	sadd.s32 s24, s21;
	s22 =	sand.u32 $0x3FFFFFFF, s22  }
0x22: {  	[hbm4b:s21+s31] =	stream.strided.scatter [tilespmem:s20], [sflag:$0x2], s22, s9, s31, $0x20;
	[tilespmem:$0x10100] =	vst v63  }
.LBB1_5:
0x23: {  	p1 =	slt.u32 s16, $0x2  }
0x24: {  	p2 =	sgt.s32 @!p1 s19, $0x31  }
0x25: {  	s20 =	smov.u32 s19;
	s21 =	sshra.s32 @!p1 s19, $0x1F;
	p2 =	por !p2, p1  }
0x26: {  	s19 =	sand.u32 @!p1 s21, s19;
	s20 =	simm.s32 @p2 $0x31  }
0x27: {  	p3 =	sgt.s32 @!p1 s17, $0x368;
	s19 =	ssub.s32 @!p1 s20, s19  }
0x28: {  	p4 =	sgt.s32 @!p1 s18, $0x380;
	s22 =	sshra.s32 @!p1 s18, $0x1F;
	s20 =	sadd.s32 @!p1 $0xFFFFFFCF, s19  }
0x29: {  	s21 =	smov.u32 s17;
	p2 =	sgt.s32 @!p1 s20, $0x0;
	s20 =	sshra.s32 @!p1 s17, $0x1F  }
0x2a: {  	p4 =	por !p4, p1;
	s17 =	sand.u32 @!p1 s20, s17;
	s20 =	smov.u32 s18  }
0x2b: {  	p3 =	por !p3, p1;
	s18 =	sand.u32 @!p1 s22, s18;
	s20 =	simm.s32 @p4 $0x380  }
0x2c: {  	s21 =	simm.s32 @p3 $0x368;
	s19 =	ssub.s32 @!p1 $0x32, s19;
	s18 =	ssub.s32 @!p1 s20, s18  }
0x2d: {  	p2 =	por !p2, p1;
	s17 =	ssub.s32 @!p1 s21, s17;
	s21 =	sadd.s32 @!p1 $0xFFFFFC80, s18  }
0x2e: {  	s19 =	simm.s32 @!p2 $0x0;
	p3 =	sgt.s32 @!p1 s21, $0x7F  }
0x2f: {  	s20 =	sadd.s32 @!p1 $0xFFFFFC98, s17;
	s18 =	ssub.s32 @!p1 $0x400, s18;
	p3 =	por !p3, p1  }
0x30: {  	p2 =	sgt.s32 @!p1 s20, $0x7F;
	s20 =	sadd.s32 $0x200, s13;
	s18 =	simm.s32 @!p3 $0x0  }
0x31: {  	p3 =	sgt.s32 s20, $0x3E7;
	s18 =	smul.u32 @!p1 s18, s19;
	s19 =	simm.s32 $0x1  }
0x32: {  	s17 =	ssub.s32 @!p1 $0x3E8, s17;
	p2 =	por !p2, p1;
	s19 =	simm.s32 @!p3 $0x0  }
0x33: {  	s22 =	smov.u32 s15;
	s17 =	simm.s32 @!p2 $0x0;
	s21 =	sadd.s32 s19, s14  }
0x34: {  	s17 =	smul.u32 @!p1 s17, s18;
	s18 =	sadd.s32 $0x400, s15;
	p2 =	sgt.s32 s21, $0x31  }
0x35: {  	p0 =	por !p0, !p0;
	s23 =	simm.s32 @!p1 $0x2;
	s22 =	smov.u32 @p2 s18  }
0x36: {  	s20 =	smov.u32 @p3 s7;
	s21 =	simm.s32 @p2 $0x0;
	p2 =	sgt.s32 s22, $0x3FF  }
0x37: {  	s19 =	smov.u32 s11;
	s22 =	smov.u32 @p2 s3;
	p2 =	sne.s32 s16, s8  }
.Ltmp1:
0x38: {  	s11 =	smov.u32 s14;
	s17 =	sand.u32 @!p1 $0x3FFFFFFF, s17;
	(pc) =	sbr.rel @!p2 .LBB1_6-.Ltmp1, $4  }
0x39: {  	s18 =	smov.u32 s12;
	s12 =	smov.u32 s15;
	_ =	swait.ge @!p1 [sflag:s23], s17  }
0x3a: {  	s24 =	ssub.s32 @!p1 $0x0, s17;
	s17 =	smov.u32 s10;
	s10 =	smov.u32 s13  }
0x3b: {  	s13 =	smov.u32 s20;
	s14 =	smov.u32 s21;
	[sflag:s23] =	ssyncset.done @!p1 $0x0  }
0x3c: {  	s16 =	sadd.s32 $0x1, s16;
	[sflag:s23] =	ssyncadd.s32 @!p1 s24;
	s15 =	smov.u32 s22  }
.LBB1_1:
0x3d: {  	p1 =	sge.u32 s16, s6  }
0x3e: {  	s20 =	sshll.u32 @!p1 s14, $0xA  }
0x3f: {  	s21 =	sshll.u32 @!p1 s13, $0x3;
	s20 =	sand.u32 @!p1 $0xFFFFE000, s20  }
0x40: {  	s20 =	sadd.s32 @!p1 s20, s21  }
0x41: {  	s20 =	sshrl.u32 @!p1 s20, $0xA  }
0x42: {  	s21 =	smulhi.u32 @!p1 $0x4924925, s20  }
0x43: {  	s22 =	sshll.u32 @!p1 s14, $0x7;
	s24 =	smul.u32 @!p1 $0x1C00, s15  }
0x44: {  	s23 =	sand.u32 @!p1 $0x78, s13;
	s22 =	sand.u32 @!p1 $0x380, s22;
	s21 =	smul.u32 @!p1 $0x38, s21  }
0x45: {  	s31 =	sadd.s32 $0xFFFFFFFF, s16;
	s22 =	sor.u32 @!p1 s23, s22;
	s23 =	sadd.s32 @!p1 s4, s24  }
0x46: {  	s22 =	sshrl.u32 @!p1 s22, $0x3;
	s20 =	ssub.s32 @!p1 s20, s21;
	s21 =	sxor.u32 @!p1 $0xFFFFFFFF, s16  }
0x47: {  	s22 =	sadd.s32 @!p1 s22, s23;
	s23 =	sand.u32 @!p1 $0x7, s13;
	s21 =	sshll.u32 @!p1 s21, $0xE  }
0x48: {  	s23 =	sshll.u32 @!p1 s23, $0x12;
	s20 =	sshll.u32 @!p1 s20, $0x7;
	s21 =	sand.u32 @!p1 $0x4000, s21  }
0x49: {  	s20 =	sadd.s32 @!p1 s20, s22;
	s22 =	sor.u32 @!p1 $0x80, s23;
	s23 =	simm.s32 @!p1 $0xE000  }
0x4a: {  	[tilespmem:s21], [sflag:$0x1] =	stream.strided.gather @!p1 [hbm4b:s20+s22], $0x4000, s23, s22, $0x38;
	[tilespmem:$0x10100] =	vst v63  }
0x4b: {  	p1 =	sge.u32 s31, s6  }
.Ltmp2:
0x4c: {  	_ = 	snop;
	(pc) =	sbr.rel @p1 .LBB1_5-.Ltmp2, $1  }
0x4d: {  	_ =	sdelay $0x3  }
0x4e: {  	s20 =	simm.s32 $0x1  }
0x4f: {  	_ =	swait.ge [sflag:s5], $0x4000;
	s20 =	simm.s32 @!p0 $0x0  }
0x50: {  	[sflag:s5] =	ssyncset.done $0x0;
	s21 =	sshll.u32 s20, $0xE  }
0x51: {  	[sflag:s5] =	ssyncadd.s32 $0xFFFFC000;
	s21 =	sor.u32 $0x40, s21  }
0x52: {  	s20 =	smul.u32 $0x10200, s20;
	v0 =	vld [tilespmem:s21+$0x30]  }
0x53: {  	v1 =	vld [tilespmem:s21+$0xFFFFFFD0]  }
0x54: {  	s20 =	sshrl.u32 s20, $0x2;
	v5 =	vld [tilespmem:s21+$0xFFFFFFE0]  }
0x55: {  	v6 =	vld [tilespmem:s21+$0xFFFFFFF0];
	s23 =	sor.u32 $0x8000, s20  }
0x56: {  	s31 =	sand.u32 $0x1, s16;
	v4 =	vld [tilespmem:s21+$0x0];
	s22 =	sadd.s32 $0x0, s23  }
0x57: {  	v3 =	vld [tilespmem:s21+$0x10];
	s20 =	smul.u32 $0x10200, s31;
	[tilespmem:s22+$0x3870 ss:$0x81] =	vst.msk $0xffff, v0  }
0x58: {  	v2 =	vld [tilespmem:s21+$0x20];
	[tilespmem:s22+$0x810 ss:$0x81] =	vst.msk $0xffff, v1  }
0x59: {  	s20 =	sshrl.u32 s20, $0x2;
	v1 =	vld [tilespmem:s21+$0xFFFFFFC0];
	[tilespmem:s22+$0x1020 ss:$0x81] =	vst.msk $0xffff, v5;
	s21 =	sadd.s32 $0x80, s21  }
0x5a: {  	s24 =	simm.s32 $0x4;
	s25 =	simm.s32 $0x8;
	s20 =	sor.u32 $0x8000, s20;
	[tilespmem:s22+$0x1830 ss:$0x81] =	vst.msk $0xffff, v6;
	v0 =	vld [tilespmem:s21+$0x30]  }
.LBB1_3:
0x5b: {  	p1 =	sne.s32 s25, $0x1FC;
	v5 =	vld [tilespmem:s21+$0xFFFFFFD0];
	[tilespmem:s22+$0x2040 ss:$0x81] =	vst.msk $0xffff, v4  }
0x5c: {  	v6 =	vld [tilespmem:s21+$0xFFFFFFE0];
	[tilespmem:s22+$0x2850 ss:$0x81] =	vst.msk $0xffff, v3  }
0x5d: {  	s26 =	sshra.s32 s24, $0x2;
	s24 =	smov.u32 s25;
	v7 =	vld [tilespmem:s21+$0xFFFFFFF0];
	[tilespmem:s22+$0x3060 ss:$0x81] =	vst.msk $0xffff, v2  }
.Ltmp3:
0x5e: {  	v4 =	vld [tilespmem:s21+$0x0];
	[tilespmem:s22+$0x0 ss:$0x81] =	vst.msk $0xffff, v1;
	s22 =	sadd.s32 s26, s23;
	(pc) =	sbr.rel @p1 .LBB1_3-.Ltmp3, $4  }
0x5f: {  	v3 =	vld [tilespmem:s21+$0x10];
	[tilespmem:s22+$0x3870 ss:$0x81] =	vst.msk $0xffff, v0  }
0x60: {  	[tilespmem:s22+$0x810 ss:$0x81] =	vst.msk $0xffff, v5;
	v2 =	vld [tilespmem:s21+$0x20]  }
0x61: {  	v1 =	vld [tilespmem:s21+$0xFFFFFFC0];
	[tilespmem:s22+$0x1020 ss:$0x81] =	vst.msk $0xffff, v6;
	s21 =	sadd.s32 $0x80, s21  }
0x62: {  	s25 =	sadd.s32 $0x4, s25;
	v0 =	vld [tilespmem:s21+$0x30];
	[tilespmem:s22+$0x1830 ss:$0x81] =	vst.msk $0xffff, v7  }
.Ltmp4:
0x63: {  	_ = 	snop;
	(pc) =	sbr.rel .LBB1_4-.Ltmp4, $1  }
0x64: {  	_ =	sdelay $0x3  }
.LBB1_6:
0x65: {  	_ =	sfence.sel $0x180000  }
0x66: {  	s2 =	simm.s32 $0x1;
	[bflag:$0x0] =	sbarrier.arrive $0xFFFF  }
0x67: {  	s31 =	simm.s32 $0x2;
	[sflag:s2] =	ssyncpa.u1 $0x1  }
0x68: {  	[sflag:s31] =	ssyncpa.u1 $0x1  }
0x69: {  	p0 =	sne.s32 s0, $0x0;
	_ =	strace $0x9000004A  }
0x6a: {  	s0 =	sadd.s32 @!p0 $0x100000, s1;
	[bflag:$0x2] =	sbarrier.arrive $0xFFFF  }
0x6b: {  	[sflag:s0] =	ssyncadd.tile.s32 @!p0 $0x1;
	_ =	shalt  }
.Lfunc_end1:
_tile_overlayer_lowered:
.L_overlay_start_2:
0x6c: {  	(tag) =	ssettag $0x2  }
0x6d: {  	s0 =	rddreg [dreg:$0x0];
	s2 =	stileid.u32  }
0x6e: {  	s1 =	rddreg [dreg:$0x1];
	p0 =	sne.s32 s2, $0x0  }
0x6f: {  	s3 =	rddreg [dreg:$0x2];
	[bflag:$0x3] =	sbarrier.arrive $0xFFFF;
	s2 =	simm.s32 @!p0 $0x1C01  }
0x70: {  	[timem:s3], [sflag:s2] =	dma.local @!p0 [hbm:s0], s1  }
0x71: {  	s0 =	simm.s32 @!p0 $0x1  }
0x72: {  	_ =	swait.ge @!p0 [sflag:s0], s1  }
0x73: {  	s1 =	ssub.s32 @!p0 $0x0, s1;
	[sflag:s0] =	ssyncset.done @!p0 $0x0  }
0x74: {  	[sflag:s0] =	ssyncadd.s32 @!p0 s1  }
0x75: {  	[bflag:$0x3] =	sbarrier.arrive $0xFFFF  }
0x76: {  	_ =	shalt  }

</sc_bundles>
